<compile_context>
chip_gen: v7x
topology: tpu7x:2x2x1
jax: 0.10.2.dev20260603
libtpu: 0.0.44.dev20260713+nightly
codegen_flags: <defaults>
</compile_context>

<pallas_src>
import functools

import jax
import jax.numpy as jnp
from jax import lax
from jax.experimental import pallas as pl
from jax.experimental.pallas import tpu as pltpu
from jax.experimental.pallas import tpu_sc as plsc

B, S, D = 2, 2048, 768
E, U1, U2, TOP_K = 8, 768, 768, 2


def _gate_kernel(x_ref, wa_ref, wg_ref, bg_ref, glog_ref):
    x = x_ref[0].astype(jnp.float32)
    wa = wa_ref[...]
    logits = jnp.sum(x * wa, axis=1, keepdims=True)
    m = jnp.max(logits)
    e = jnp.exp(logits - m)
    scores = e / jnp.sum(e)
    attn = jnp.sum(x * scores, axis=0, keepdims=True)
    glog = jnp.dot(attn, wg_ref[...],
                   preferred_element_type=jnp.float32) + bg_ref[...]
    b = pl.program_id(0)
    glog_ref[pl.ds(b, 1), :] = glog


def _route_kernel(glog_hbm, idx_hbm, w_hbm, g_v, idx_v, w_v):
    cid = lax.axis_index("c")
    sid = lax.axis_index("s")

    @pl.when((cid == 0) & (sid == 0))
    def _():
        pltpu.sync_copy(glog_hbm, g_v)
        l = g_v[...]
        lane = lax.iota(jnp.int32, 16)

        def vec(x):
            return jnp.broadcast_to(x, (16,))

        res = []
        for b in range(B):
            mb = (lane >= b * E) & (lane < (b + 1) * E)
            neg = jnp.float32(-3.4e38)
            m = vec(jnp.max(jnp.where(mb, l, neg)))
            eb = jnp.where(mb, jnp.exp(l - m), 0.0)
            z = vec(jnp.sum(eb))
            gs = jnp.where(mb, eb / z, -1.0)
            v1 = vec(jnp.max(gs))
            i1 = vec(plsc.all_reduce_ffs(gs == v1))
            g2 = jnp.where(lane == i1, -1.0, gs)
            v2 = vec(jnp.max(g2))
            i2 = vec(plsc.all_reduce_ffs(g2 == v2))
            s = v1 + v2 + 1e-9
            res.append((i1 - b * E, i2 - b * E, v1 / s, v2 / s))
        idx_vec = jnp.zeros((16,), jnp.int32)
        w_vec = jnp.zeros((16,), jnp.float32)
        for b in range(B):
            i1, i2, w1, w2 = res[b]
            idx_vec = jnp.where(lane == 2 * b, i1, idx_vec)
            idx_vec = jnp.where(lane == 2 * b + 1, i2, idx_vec)
            w_vec = jnp.where(lane == 2 * b, w1, w_vec)
            w_vec = jnp.where(lane == 2 * b + 1, w2, w_vec)
        idx_v[...] = idx_vec
        w_v[...] = w_vec
        pltpu.sync_copy(idx_v, idx_hbm)
        pltpu.sync_copy(w_v, w_hbm)


def _gelu_exact(x):
    return x * 0.5 * (1.0 + lax.erf(x * 0.7071067811865476))


S_BLK = 2048


def _ffn_kernel(idx_ref, w_ref, x_ref, w1_ref, b1_ref, w2_ref, b2_ref,
                out_ref):
    del idx_ref
    b = pl.program_id(0)
    k = pl.program_id(2)
    x = x_ref[0]
    h = jnp.dot(x, w1_ref[0], preferred_element_type=jnp.float32)
    h = _gelu_exact(h + b1_ref[0])
    o = jnp.dot(h.astype(jnp.bfloat16), w2_ref[0],
                preferred_element_type=jnp.float32)
    o = _gelu_exact(o + b2_ref[0])
    w = w_ref[2 * b + k]

    @pl.when(k == 0)
    def _():
        out_ref[0] = w * o

    @pl.when(k == 1)
    def _():
        out_ref[0] += w * o


@jax.jit
def kernel(inputs, W_attn, b_attn, W_gate, b_gate, W1, b1, W2, b2):
    del b_attn
    wa_t = W_attn.reshape(1, D)
    bg = b_gate.reshape(1, E)
    xb = inputs.astype(jnp.bfloat16)
    W1b = W1.astype(jnp.bfloat16)
    W2b = W2.astype(jnp.bfloat16)

    glog = pl.pallas_call(
        _gate_kernel,
        grid=(B,),
        in_specs=[
            pl.BlockSpec((1, S, D), lambda b: (b, 0, 0)),
            pl.BlockSpec((1, D), lambda b: (0, 0)),
            pl.BlockSpec((D, E), lambda b: (0, 0)),
            pl.BlockSpec((1, E), lambda b: (0, 0)),
        ],
        out_specs=pl.BlockSpec((B, E), lambda b: (0, 0)),
        out_shape=jax.ShapeDtypeStruct((B, E), jnp.float32),
    )(xb, wa_t, W_gate, bg)

    route = functools.partial(
        pl.kernel,
        mesh=plsc.VectorSubcoreMesh(core_axis_name="c", subcore_axis_name="s"),
        out_type=[
            jax.ShapeDtypeStruct((16,), jnp.int32),
            jax.ShapeDtypeStruct((16,), jnp.float32),
        ],
        scratch_types=[
            pltpu.VMEM((16,), jnp.float32),
            pltpu.VMEM((16,), jnp.int32),
            pltpu.VMEM((16,), jnp.float32),
        ],
        compiler_params=pltpu.CompilerParams(needs_layout_passes=False),
    )(_route_kernel)
    idx, w = route(glog.reshape(B * E))

    b1r = b1.reshape(E, 1, U1)
    b2r = b2.reshape(E, 1, U2)

    grid_spec = pltpu.PrefetchScalarGridSpec(
        num_scalar_prefetch=2,
        grid=(B, S // S_BLK, TOP_K),
        in_specs=[
            pl.BlockSpec((1, S_BLK, D), lambda b, s, k, idx, w: (b, s, 0)),
            pl.BlockSpec((1, D, U1),
                         lambda b, s, k, idx, w: (idx[2 * b + k], 0, 0)),
            pl.BlockSpec((1, 1, U1),
                         lambda b, s, k, idx, w: (idx[2 * b + k], 0, 0)),
            pl.BlockSpec((1, U1, U2),
                         lambda b, s, k, idx, w: (idx[2 * b + k], 0, 0)),
            pl.BlockSpec((1, 1, U2),
                         lambda b, s, k, idx, w: (idx[2 * b + k], 0, 0)),
        ],
        out_specs=pl.BlockSpec((1, S_BLK, U2),
                               lambda b, s, k, idx, w: (b, s, 0)),
    )

    out = pl.pallas_call(
        _ffn_kernel,
        grid_spec=grid_spec,
        out_shape=jax.ShapeDtypeStruct((B, S, U2), jnp.float32),
    )(idx, w, xb, W1b, b1r, W2b, b2r)
    return out

# --- scband reference (transcript-rebuilt; emitter-appended) ---
"""Pipeline reference for scband-mo-etop-klayer-39273180955212 (READ-ONLY COPY).

The authoritative reference and input builder live on the scoring server;
editing this copy changes nothing except your own understanding.
"""

import jax, jax.numpy as jnp
import numpy as np

B, S, D = 2, 2048, 768
E, U1, U2, TOP_K = 8, 768, 768, 2


def setup_inputs(seed: int = 0) -> dict:
    key = jax.random.key(seed)
    ks = jax.random.split(key, 5)
    inputs = jax.random.normal(ks[0], (B, S, D), dtype=jnp.float32)
    W_attn = jax.random.normal(ks[1], (D, 1), dtype=jnp.float32) * 0.02
    b_attn = jnp.zeros((1,), dtype=jnp.float32)
    W_gate = jax.random.normal(ks[2], (D, E), dtype=jnp.float32) * 0.02
    b_gate = jnp.zeros((E,), dtype=jnp.float32)
    W1 = jax.random.normal(ks[3], (E, D, U1), dtype=jnp.float32) * 0.02
    b1 = jnp.zeros((E, U1), dtype=jnp.float32)
    W2 = jax.random.normal(ks[4], (E, U1, U2), dtype=jnp.float32) * 0.02
    b2 = jnp.zeros((E, U2), dtype=jnp.float32)
    return {"inputs": inputs, "W_attn": W_attn, "b_attn": b_attn,
            "W_gate": W_gate, "b_gate": b_gate,
            "W1": W1, "b1": b1, "W2": W2, "b2": b2}


def reference(inputs, W_attn, b_attn, W_gate, b_gate, W1, b1, W2, b2):
    # attention pooling over the sequence axis (axis=1), as in the Keras layer
    attn_logits = jnp.einsum('bsd,do->bso', inputs, W_attn) + b_attn      # [B,S,1]
    attn_scores = jax.nn.softmax(attn_logits, axis=1)                      # softmax over seq
    attn_inputs = jnp.sum(inputs * attn_scores, axis=1)                    # [B,D]

    # gating network (softmax over experts)
    gate_outputs = jax.nn.softmax(attn_inputs @ W_gate + b_gate, axis=-1)  # [B,E]

    # top-k mask
    top_k_values, top_k_indices = jax.lax.top_k(gate_outputs, TOP_K)       # [B,K]
    mask = jnp.sum(jax.nn.one_hot(top_k_indices, E, dtype=gate_outputs.dtype), axis=-2)  # [B,E]
    gated = gate_outputs * mask
    gated = gated / (jnp.sum(gated, axis=-1, keepdims=True) + 1e-9)        # [B,E]

    # dense evaluation of every expert (matches tf.stack over expert list)
    h = jax.nn.gelu(jnp.einsum('bsd,edu->bseu', inputs, W1) + b1, approximate=False)   # [B,S,E,U1]
    expert_out = jax.nn.gelu(jnp.einsum('bseu,euv->bsev', h, W2) + b2, approximate=False)  # [B,S,E,U2]

    # weighted combination: gated broadcast over seq and feature dims
    out = jnp.einsum('bsev,be->bsv', expert_out, gated)                    # [B,S,U2]
    return out

if __name__ == "__main__":
    import jax
    _d = setup_inputs()
    print(jax.jit(kernel)(*tuple(_d.values())))

</pallas_src>

<mosaic_0001>
#map = affine_map<(d0, d1) -> (0)>
module attributes {stable_mosaic.version = 14 : i64} {
  func.func @_route_kernel(%arg0: i32, %arg1: i32, %arg2: memref<16xf32, #tpu.memory_space<hbm>>, %arg3: memref<16xi32, #tpu.memory_space<hbm>>, %arg4: memref<16xf32, #tpu.memory_space<hbm>>, %arg5: memref<16xf32, #tpu.memory_space<vmem>>, %arg6: memref<16xi32, #tpu.memory_space<vmem>>, %arg7: memref<16xf32, #tpu.memory_space<vmem>>) attributes {dimension_semantics = [#tpu.dimension_semantics<core_parallel>, #tpu.dimension_semantics<subcore_parallel>], iteration_bounds = array<i64: 2, 16>, scalar_prefetch = 0 : i64, scratch_operands = 3 : i64, tpu.core_type = #tpu.core_type<sc_vector_subcore>, window_params = [{transform_indices = #map}, {transform_indices = #map}, {transform_indices = #map}]} {
    %eq3A = arith.constant 0 : i32
    %eq3A_0 = arith.cmpi eq, %arg0, %eq3A : i32
    %eq3A_1 = arith.constant 0 : i32
    %eq3A_2 = arith.cmpi eq, %arg1, %eq3A_1 : i32
    %and3A = arith.andi %eq3A_0, %eq3A_2 : i1
    %convert_element_type3A = arith.extui %and3A : i1 to i32
    %cond3A = arith.constant 0 : i32
    %cond3A_3 = arith.cmpi ne, %convert_element_type3A, %cond3A : i32
    scf.if %cond3A_3 {
      "tpu.region"() ({
        %run_scoped3A = tpu.sem_alloc : memref<!tpu.dma_semaphore, #tpu.memory_space<semaphore_mem>>
        tpu.enqueue_dma source(%arg2 : memref<16xf32, #tpu.memory_space<hbm>>) target(%arg5 : memref<16xf32, #tpu.memory_space<vmem>>) target_semaphore(%run_scoped3A : memref<!tpu.dma_semaphore, #tpu.memory_space<semaphore_mem>>)
        tpu.wait_dma2 semaphore(%run_scoped3A : memref<!tpu.dma_semaphore, #tpu.memory_space<semaphore_mem>>) src(%arg2 : memref<16xf32, #tpu.memory_space<hbm>>) dst(%arg5 : memref<16xf32, #tpu.memory_space<vmem>>)
        tpu.yield
      }) : () -> ()
      %get3A = arith.constant 0 : index
      %get3A_4 = tpu.vector_load %arg5[%get3A] {strides = array<i32>} : memref<16xf32, #tpu.memory_space<vmem>>, vector<16xf32>,
      %iota3A = tpu.iota {dimensions = array<i32: 0>} : vector<16xi32>
      %ge3A = arith.constant 0 : i32
      %ge3A_5 = vector.broadcast %ge3A : i32 to vector<16xi32>
      %ge3A_6 = arith.cmpi sge, %iota3A, %ge3A_5 : vector<16xi32>
      %lt3A = arith.constant 8 : i32
      %lt3A_7 = vector.broadcast %lt3A : i32 to vector<16xi32>
      %lt3A_8 = arith.cmpi slt, %iota3A, %lt3A_7 : vector<16xi32>
      %and3A_9 = arith.andi %ge3A_6, %lt3A_8 : vector<16xi1>
      %jit3A = arith.constant -3.400000e+38 : f32
      %broadcast_in_dim3A = vector.broadcast %jit3A : f32 to vector<16xf32>
      %select_n3A = arith.select %and3A_9, %get3A_4, %broadcast_in_dim3A : vector<16xi1>, vector<16xf32>
      %reduce_max3A = arith.constant true
      %reduce_max3A_10 = vector.broadcast %reduce_max3A : i1 to vector<16xi1>
      %reduce_max3A_11 = tpu.scan <max>, %select_n3A masked %reduce_max3A_10 : vector<16xf32>, vector<16xi1> -> vector<16xf32>
      %reduce_max3A_12 = vector.extract %reduce_max3A_11[15] : f32 from vector<16xf32>
      %broadcast_in_dim3A_13 = vector.broadcast %reduce_max3A_12 : f32 to vector<16xf32>
      %sub3A = arith.subf %get3A_4, %broadcast_in_dim3A_13 : vector<16xf32>
      %exp3A = math.exp %sub3A : vector<16xf32>
      %jit3A_14 = arith.constant 0.000000e+00 : f32
      %broadcast_in_dim3A_15 = vector.broadcast %jit3A_14 : f32 to vector<16xf32>
      %select_n3A_16 = arith.select %and3A_9, %exp3A, %broadcast_in_dim3A_15 : vector<16xi1>, vector<16xf32>
      %reduce_sum3A = arith.constant true
      %reduce_sum3A_17 = vector.broadcast %reduce_sum3A : i1 to vector<16xi1>
      %reduce_sum3A_18 = tpu.scan <sum>, %select_n3A_16 masked %reduce_sum3A_17 : vector<16xf32>, vector<16xi1> -> vector<16xf32>
      %reduce_sum3A_19 = vector.extract %reduce_sum3A_18[15] : f32 from vector<16xf32>
      %broadcast_in_dim3A_20 = vector.broadcast %reduce_sum3A_19 : f32 to vector<16xf32>
      %div3A = arith.divf %select_n3A_16, %broadcast_in_dim3A_20 : vector<16xf32>
      %jit3A_21 = arith.constant -1.000000e+00 : f32
      %broadcast_in_dim3A_22 = vector.broadcast %jit3A_21 : f32 to vector<16xf32>
      %select_n3A_23 = arith.select %and3A_9, %div3A, %broadcast_in_dim3A_22 : vector<16xi1>, vector<16xf32>
      %reduce_max3A_24 = arith.constant true
      %reduce_max3A_25 = vector.broadcast %reduce_max3A_24 : i1 to vector<16xi1>
      %reduce_max3A_26 = tpu.scan <max>, %select_n3A_23 masked %reduce_max3A_25 : vector<16xf32>, vector<16xi1> -> vector<16xf32>
      %reduce_max3A_27 = vector.extract %reduce_max3A_26[15] : f32 from vector<16xf32>
      %broadcast_in_dim3A_28 = vector.broadcast %reduce_max3A_27 : f32 to vector<16xf32>
      %eq3A_29 = arith.cmpf oeq, %select_n3A_23, %broadcast_in_dim3A_28 : vector<16xf32>
      %all_reduce_ffs3A = tpu.all_reduce %eq3A_29 {dim = 0 : i64, kind = #tpu.reduction_kind<find_first_set>} : vector<16xi1> -> vector<16xi32>
      %eq3A_30 = arith.cmpi eq, %iota3A, %all_reduce_ffs3A : vector<16xi32>
      %jit3A_31 = arith.constant -1.000000e+00 : f32
      %broadcast_in_dim3A_32 = vector.broadcast %jit3A_31 : f32 to vector<16xf32>
      %select_n3A_33 = arith.select %eq3A_30, %broadcast_in_dim3A_32, %select_n3A_23 : vector<16xi1>, vector<16xf32>
      %reduce_max3A_34 = arith.constant true
      %reduce_max3A_35 = vector.broadcast %reduce_max3A_34 : i1 to vector<16xi1>
      %reduce_max3A_36 = tpu.scan <max>, %select_n3A_33 masked %reduce_max3A_35 : vector<16xf32>, vector<16xi1> -> vector<16xf32>
      %reduce_max3A_37 = vector.extract %reduce_max3A_36[15] : f32 from vector<16xf32>
      %broadcast_in_dim3A_38 = vector.broadcast %reduce_max3A_37 : f32 to vector<16xf32>
      %eq3A_39 = arith.cmpf oeq, %select_n3A_33, %broadcast_in_dim3A_38 : vector<16xf32>
      %all_reduce_ffs3A_40 = tpu.all_reduce %eq3A_39 {dim = 0 : i64, kind = #tpu.reduction_kind<find_first_set>} : vector<16xi1> -> vector<16xi32>
      %add3A = arith.addf %broadcast_in_dim3A_28, %broadcast_in_dim3A_38 : vector<16xf32>
      %add3A_41 = arith.constant 9.99999971E-10 : f32
      %add3A_42 = vector.broadcast %add3A_41 : f32 to vector<16xf32>
      %add3A_43 = arith.addf %add3A, %add3A_42 : vector<16xf32>
      %sub3A_44 = arith.constant 0 : i32
      %sub3A_45 = vector.broadcast %sub3A_44 : i32 to vector<16xi32>
      %sub3A_46 = arith.subi %all_reduce_ffs3A, %sub3A_45 : vector<16xi32>
      %sub3A_47 = arith.constant 0 : i32
      %sub3A_48 = vector.broadcast %sub3A_47 : i32 to vector<16xi32>
      %sub3A_49 = arith.subi %all_reduce_ffs3A_40, %sub3A_48 : vector<16xi32>
      %div3A_50 = arith.divf %broadcast_in_dim3A_28, %add3A_43 : vector<16xf32>
      %div3A_51 = arith.divf %broadcast_in_dim3A_38, %add3A_43 : vector<16xf32>
      %ge3A_52 = arith.constant 8 : i32
      %ge3A_53 = vector.broadcast %ge3A_52 : i32 to vector<16xi32>
      %ge3A_54 = arith.cmpi sge, %iota3A, %ge3A_53 : vector<16xi32>
      %lt3A_55 = arith.constant 16 : i32
      %lt3A_56 = vector.broadcast %lt3A_55 : i32 to vector<16xi32>
      %lt3A_57 = arith.cmpi slt, %iota3A, %lt3A_56 : vector<16xi32>
      %and3A_58 = arith.andi %ge3A_54, %lt3A_57 : vector<16xi1>
      %jit3A_59 = arith.constant -3.400000e+38 : f32
      %broadcast_in_dim3A_60 = vector.broadcast %jit3A_59 : f32 to vector<16xf32>
      %select_n3A_61 = arith.select %and3A_58, %get3A_4, %broadcast_in_dim3A_60 : vector<16xi1>, vector<16xf32>
      %reduce_max3A_62 = arith.constant true
      %reduce_max3A_63 = vector.broadcast %reduce_max3A_62 : i1 to vector<16xi1>
      %reduce_max3A_64 = tpu.scan <max>, %select_n3A_61 masked %reduce_max3A_63 : vector<16xf32>, vector<16xi1> -> vector<16xf32>
      %reduce_max3A_65 = vector.extract %reduce_max3A_64[15] : f32 from vector<16xf32>
      %broadcast_in_dim3A_66 = vector.broadcast %reduce_max3A_65 : f32 to vector<16xf32>
      %sub3A_67 = arith.subf %get3A_4, %broadcast_in_dim3A_66 : vector<16xf32>
      %exp3A_68 = math.exp %sub3A_67 : vector<16xf32>
      %jit3A_69 = arith.constant 0.000000e+00 : f32
      %broadcast_in_dim3A_70 = vector.broadcast %jit3A_69 : f32 to vector<16xf32>
      %select_n3A_71 = arith.select %and3A_58, %exp3A_68, %broadcast_in_dim3A_70 : vector<16xi1>, vector<16xf32>
      %reduce_sum3A_72 = arith.constant true
      %reduce_sum3A_73 = vector.broadcast %reduce_sum3A_72 : i1 to vector<16xi1>
      %reduce_sum3A_74 = tpu.scan <sum>, %select_n3A_71 masked %reduce_sum3A_73 : vector<16xf32>, vector<16xi1> -> vector<16xf32>
      %reduce_sum3A_75 = vector.extract %reduce_sum3A_74[15] : f32 from vector<16xf32>
      %broadcast_in_dim3A_76 = vector.broadcast %reduce_sum3A_75 : f32 to vector<16xf32>
      %div3A_77 = arith.divf %select_n3A_71, %broadcast_in_dim3A_76 : vector<16xf32>
      %jit3A_78 = arith.constant -1.000000e+00 : f32
      %broadcast_in_dim3A_79 = vector.broadcast %jit3A_78 : f32 to vector<16xf32>
      %select_n3A_80 = arith.select %and3A_58, %div3A_77, %broadcast_in_dim3A_79 : vector<16xi1>, vector<16xf32>
      %reduce_max3A_81 = arith.constant true
      %reduce_max3A_82 = vector.broadcast %reduce_max3A_81 : i1 to vector<16xi1>
      %reduce_max3A_83 = tpu.scan <max>, %select_n3A_80 masked %reduce_max3A_82 : vector<16xf32>, vector<16xi1> -> vector<16xf32>
      %reduce_max3A_84 = vector.extract %reduce_max3A_83[15] : f32 from vector<16xf32>
      %broadcast_in_dim3A_85 = vector.broadcast %reduce_max3A_84 : f32 to vector<16xf32>
      %eq3A_86 = arith.cmpf oeq, %select_n3A_80, %broadcast_in_dim3A_85 : vector<16xf32>
      %all_reduce_ffs3A_87 = tpu.all_reduce %eq3A_86 {dim = 0 : i64, kind = #tpu.reduction_kind<find_first_set>} : vector<16xi1> -> vector<16xi32>
      %eq3A_88 = arith.cmpi eq, %iota3A, %all_reduce_ffs3A_87 : vector<16xi32>
      %jit3A_89 = arith.constant -1.000000e+00 : f32
      %broadcast_in_dim3A_90 = vector.broadcast %jit3A_89 : f32 to vector<16xf32>
      %select_n3A_91 = arith.select %eq3A_88, %broadcast_in_dim3A_90, %select_n3A_80 : vector<16xi1>, vector<16xf32>
      %reduce_max3A_92 = arith.constant true
      %reduce_max3A_93 = vector.broadcast %reduce_max3A_92 : i1 to vector<16xi1>
      %reduce_max3A_94 = tpu.scan <max>, %select_n3A_91 masked %reduce_max3A_93 : vector<16xf32>, vector<16xi1> -> vector<16xf32>
      %reduce_max3A_95 = vector.extract %reduce_max3A_94[15] : f32 from vector<16xf32>
      %broadcast_in_dim3A_96 = vector.broadcast %reduce_max3A_95 : f32 to vector<16xf32>
      %eq3A_97 = arith.cmpf oeq, %select_n3A_91, %broadcast_in_dim3A_96 : vector<16xf32>
      %all_reduce_ffs3A_98 = tpu.all_reduce %eq3A_97 {dim = 0 : i64, kind = #tpu.reduction_kind<find_first_set>} : vector<16xi1> -> vector<16xi32>
      %add3A_99 = arith.addf %broadcast_in_dim3A_85, %broadcast_in_dim3A_96 : vector<16xf32>
      %add3A_100 = arith.constant 9.99999971E-10 : f32
      %add3A_101 = vector.broadcast %add3A_100 : f32 to vector<16xf32>
      %add3A_102 = arith.addf %add3A_99, %add3A_101 : vector<16xf32>
      %sub3A_103 = arith.constant 8 : i32
      %sub3A_104 = vector.broadcast %sub3A_103 : i32 to vector<16xi32>
      %sub3A_105 = arith.subi %all_reduce_ffs3A_87, %sub3A_104 : vector<16xi32>
      %sub3A_106 = arith.constant 8 : i32
      %sub3A_107 = vector.broadcast %sub3A_106 : i32 to vector<16xi32>
      %sub3A_108 = arith.subi %all_reduce_ffs3A_98, %sub3A_107 : vector<16xi32>
      %div3A_109 = arith.divf %broadcast_in_dim3A_85, %add3A_102 : vector<16xf32>
      %div3A_110 = arith.divf %broadcast_in_dim3A_96, %add3A_102 : vector<16xf32>
      %broadcast_in_dim3A_111 = arith.constant 0 : i32
      %broadcast_in_dim3A_112 = vector.broadcast %broadcast_in_dim3A_111 : i32 to vector<16xi32>
      %broadcast_in_dim3A_113 = arith.constant 0.000000e+00 : f32
      %broadcast_in_dim3A_114 = vector.broadcast %broadcast_in_dim3A_113 : f32 to vector<16xf32>
      %eq3A_115 = arith.constant 0 : i32
      %eq3A_116 = vector.broadcast %eq3A_115 : i32 to vector<16xi32>
      %eq3A_117 = arith.cmpi eq, %iota3A, %eq3A_116 : vector<16xi32>
      %select_n3A_118 = arith.select %eq3A_117, %sub3A_46, %broadcast_in_dim3A_112 : vector<16xi1>, vector<16xi32>
      %eq3A_119 = arith.constant 1 : i32
      %eq3A_120 = vector.broadcast %eq3A_119 : i32 to vector<16xi32>
      %eq3A_121 = arith.cmpi eq, %iota3A, %eq3A_120 : vector<16xi32>
      %select_n3A_122 = arith.select %eq3A_121, %sub3A_49, %select_n3A_118 : vector<16xi1>, vector<16xi32>
      %eq3A_123 = arith.constant 0 : i32
      %eq3A_124 = vector.broadcast %eq3A_123 : i32 to vector<16xi32>
      %eq3A_125 = arith.cmpi eq, %iota3A, %eq3A_124 : vector<16xi32>
      %select_n3A_126 = arith.select %eq3A_125, %div3A_50, %broadcast_in_dim3A_114 : vector<16xi1>, vector<16xf32>
      %eq3A_127 = arith.constant 1 : i32
      %eq3A_128 = vector.broadcast %eq3A_127 : i32 to vector<16xi32>
      %eq3A_129 = arith.cmpi eq, %iota3A, %eq3A_128 : vector<16xi32>
      %select_n3A_130 = arith.select %eq3A_129, %div3A_51, %select_n3A_126 : vector<16xi1>, vector<16xf32>
      %eq3A_131 = arith.constant 2 : i32
      %eq3A_132 = vector.broadcast %eq3A_131 : i32 to vector<16xi32>
      %eq3A_133 = arith.cmpi eq, %iota3A, %eq3A_132 : vector<16xi32>
      %select_n3A_134 = arith.select %eq3A_133, %sub3A_105, %select_n3A_122 : vector<16xi1>, vector<16xi32>
      %eq3A_135 = arith.constant 3 : i32
      %eq3A_136 = vector.broadcast %eq3A_135 : i32 to vector<16xi32>
      %eq3A_137 = arith.cmpi eq, %iota3A, %eq3A_136 : vector<16xi32>
      %select_n3A_138 = arith.select %eq3A_137, %sub3A_108, %select_n3A_134 : vector<16xi1>, vector<16xi32>
      %eq3A_139 = arith.constant 2 : i32
      %eq3A_140 = vector.broadcast %eq3A_139 : i32 to vector<16xi32>
      %eq3A_141 = arith.cmpi eq, %iota3A, %eq3A_140 : vector<16xi32>
      %select_n3A_142 = arith.select %eq3A_141, %div3A_109, %select_n3A_130 : vector<16xi1>, vector<16xf32>
      %eq3A_143 = arith.constant 3 : i32
      %eq3A_144 = vector.broadcast %eq3A_143 : i32 to vector<16xi32>
      %eq3A_145 = arith.cmpi eq, %iota3A, %eq3A_144 : vector<16xi32>
      %select_n3A_146 = arith.select %eq3A_145, %div3A_110, %select_n3A_142 : vector<16xi1>, vector<16xf32>
      %swap3A = arith.constant 0 : index
      %swap3A_147 = tpu.vector_load %arg6[%swap3A] {strides = array<i32>} : memref<16xi32, #tpu.memory_space<vmem>>, vector<16xi32>,
      tpu.vector_store %arg6[%swap3A], %select_n3A_138 {strides = array<i32>} : memref<16xi32, #tpu.memory_space<vmem>>, vector<16xi32>,
      %swap3A_148 = arith.constant 0 : index
      %swap3A_149 = tpu.vector_load %arg7[%swap3A_148] {strides = array<i32>} : memref<16xf32, #tpu.memory_space<vmem>>, vector<16xf32>,
      tpu.vector_store %arg7[%swap3A_148], %select_n3A_146 {strides = array<i32>} : memref<16xf32, #tpu.memory_space<vmem>>, vector<16xf32>,
      "tpu.region"() ({
        %run_scoped3A = tpu.sem_alloc : memref<!tpu.dma_semaphore, #tpu.memory_space<semaphore_mem>>
        tpu.enqueue_dma source(%arg6 : memref<16xi32, #tpu.memory_space<vmem>>) target(%arg3 : memref<16xi32, #tpu.memory_space<hbm>>) target_semaphore(%run_scoped3A : memref<!tpu.dma_semaphore, #tpu.memory_space<semaphore_mem>>)
        tpu.wait_dma2 semaphore(%run_scoped3A : memref<!tpu.dma_semaphore, #tpu.memory_space<semaphore_mem>>) src(%arg6 : memref<16xi32, #tpu.memory_space<vmem>>) dst(%arg3 : memref<16xi32, #tpu.memory_space<hbm>>)
        tpu.yield
      }) : () -> ()
      "tpu.region"() ({
        %run_scoped3A = tpu.sem_alloc : memref<!tpu.dma_semaphore, #tpu.memory_space<semaphore_mem>>
        tpu.enqueue_dma source(%arg7 : memref<16xf32, #tpu.memory_space<vmem>>) target(%arg4 : memref<16xf32, #tpu.memory_space<hbm>>) target_semaphore(%run_scoped3A : memref<!tpu.dma_semaphore, #tpu.memory_space<semaphore_mem>>)
        tpu.wait_dma2 semaphore(%run_scoped3A : memref<!tpu.dma_semaphore, #tpu.memory_space<semaphore_mem>>) src(%arg7 : memref<16xf32, #tpu.memory_space<vmem>>) dst(%arg4 : memref<16xf32, #tpu.memory_space<hbm>>)
        tpu.yield
      }) : () -> ()
    } else {
    }
    return
  }
}

module attributes {stable_mosaic.version = 14 : i64} {
  func.func @_gate_kernel(%arg0: i32, %arg1: memref<1x2048x768xbf16, #tpu.memory_space<vmem>>, %arg2: memref<1x768xf32, #tpu.memory_space<vmem>>, %arg3: memref<768x8xf32, #tpu.memory_space<vmem>>, %arg4: memref<1x8xf32, #tpu.memory_space<vmem>>, %arg5: memref<2x8xf32, #tpu.memory_space<vmem>>) attributes {dimension_semantics = [#tpu.dimension_semantics<arbitrary>], iteration_bounds = array<i64: 2>, scalar_prefetch = 0 : i64, scratch_operands = 0 : i64, tpu.core_type = #tpu.core_type<tc>, window_params = [{transform_indices = @transform_0, window_bounds = array<i64: 1, 2048, 768>}, {pipeline_mode = #tpu.pipeline_mode<synchronous>, transform_indices = @transform_1, window_bounds = array<i64: 1, 768>}, {pipeline_mode = #tpu.pipeline_mode<synchronous>, transform_indices = @transform_2, window_bounds = array<i64: 768, 8>}, {pipeline_mode = #tpu.pipeline_mode<synchronous>, transform_indices = @transform_3, window_bounds = array<i64: 1, 8>}, {pipeline_mode = #tpu.pipeline_mode<synchronous>, transform_indices = @transform_4, window_bounds = array<i64: 2, 8>}]} {
    %get3A = arith.constant 0 : index
    %get3A_0 = arith.constant 0 : index
    %get3A_1 = arith.constant 0 : index
    %get3A_2 = vector.load %arg1[%get3A, %get3A_0, %get3A_1] : memref<1x2048x768xbf16, #tpu.memory_space<vmem>>, vector<1x2048x768xbf16>
    %get3A_3 = vector.shape_cast %get3A_2 : vector<1x2048x768xbf16> to vector<2048x768xbf16>
    %convert_element_type3A = arith.extf %get3A_3 : vector<2048x768xbf16> to vector<2048x768xf32>
    %get3A_4 = arith.constant 0 : index
    %get3A_5 = arith.constant 0 : index
    %get3A_6 = vector.load %arg2[%get3A_4, %get3A_5] : memref<1x768xf32, #tpu.memory_space<vmem>>, vector<1x768xf32>
    %mul3A = vector.broadcast %get3A_6 : vector<1x768xf32> to vector<2048x768xf32>
    %mul3A_7 = arith.mulf %convert_element_type3A, %mul3A : vector<2048x768xf32>
    %reduce_sum3A = arith.constant dense<0.000000e+00> : vector<2048xf32>
    %reduce_sum3A_8 = vector.multi_reduction <add>, %mul3A_7, %reduce_sum3A [1] : vector<2048x768xf32> to vector<2048xf32>
    %broadcast_in_dim3A = vector.shape_cast %reduce_sum3A_8 : vector<2048xf32> to vector<2048x1xf32>
    %reduce_max3A = vector.shape_cast %broadcast_in_dim3A : vector<2048x1xf32> to vector<1x2048x1xf32>
    %reduce_max3A_9 = arith.constant dense<0xFF800000> : vector<1xf32>
    %reduce_max3A_10 = vector.multi_reduction <maximumf>, %reduce_max3A, %reduce_max3A_9 [1, 2] : vector<1x2048x1xf32> to vector<1xf32>
    %reduce_max3A_11 = vector.shape_cast %reduce_max3A_10 : vector<1xf32> to vector<1x1x1xf32>
    %reduce_max3A_12 = vector.extract %reduce_max3A_11[0, 0, 0] : f32 from vector<1x1x1xf32>
    %sub3A = vector.broadcast %reduce_max3A_12 : f32 to vector<2048x1xf32>
    %sub3A_13 = arith.subf %broadcast_in_dim3A, %sub3A : vector<2048x1xf32>
    %exp3A = math.exp %sub3A_13 : vector<2048x1xf32>
    %reduce_sum3A_14 = vector.shape_cast %exp3A : vector<2048x1xf32> to vector<1x2048x1xf32>
    %reduce_sum3A_15 = arith.constant dense<0.000000e+00> : vector<1xf32>
    %reduce_sum3A_16 = vector.multi_reduction <add>, %reduce_sum3A_14, %reduce_sum3A_15 [1, 2] : vector<1x2048x1xf32> to vector<1xf32>
    %reduce_sum3A_17 = vector.shape_cast %reduce_sum3A_16 : vector<1xf32> to vector<1x1x1xf32>
    %reduce_sum3A_18 = vector.extract %reduce_sum3A_17[0, 0, 0] : f32 from vector<1x1x1xf32>
    %div3A = vector.broadcast %reduce_sum3A_18 : f32 to vector<2048x1xf32>
    %div3A_19 = arith.divf %exp3A, %div3A : vector<2048x1xf32>
    %mul3A_20 = vector.broadcast %div3A_19 : vector<2048x1xf32> to vector<2048x768xf32>
    %mul3A_21 = arith.mulf %convert_element_type3A, %mul3A_20 : vector<2048x768xf32>
    %reduce_sum3A_22 = arith.constant dense<0.000000e+00> : vector<768xf32>
    %reduce_sum3A_23 = vector.multi_reduction <add>, %mul3A_21, %reduce_sum3A_22 [0] : vector<2048x768xf32> to vector<768xf32>
    %broadcast_in_dim3A_24 = vector.shape_cast %reduce_sum3A_23 : vector<768xf32> to vector<1x768xf32>
    %get3A_25 = arith.constant 0 : index
    %get3A_26 = arith.constant 0 : index
    %get3A_27 = vector.load %arg3[%get3A_25, %get3A_26] : memref<768x8xf32, #tpu.memory_space<vmem>>, vector<768x8xf32>
    %dot_general3A = arith.constant dense<0.000000e+00> : vector<1x8xf32>
    %dot_general3A_28 = tpu.matmul %broadcast_in_dim3A_24, %get3A_27, %dot_general3A {dimension_numbers = #tpu.dot_dimension_numbers<[1], [0], [0], [1], [0, 0, 1, 1], [], []>, transpose_lhs_hint = false} : vector<1x768xf32>, vector<768x8xf32>, vector<1x8xf32> -> vector<1x8xf32>
    %get3A_29 = arith.constant 0 : index
    %get3A_30 = arith.constant 0 : index
    %get3A_31 = vector.load %arg4[%get3A_29, %get3A_30] : memref<1x8xf32, #tpu.memory_space<vmem>>, vector<1x8xf32>
    %add3A = arith.addf %dot_general3A_28, %get3A_31 : vector<1x8xf32>
    %swap3A = arith.index_cast %arg0 : i32 to index
    %swap3A_32 = arith.constant 0 : index
    %swap3A_33 = vector.load %arg5[%swap3A, %swap3A_32] : memref<2x8xf32, #tpu.memory_space<vmem>>, vector<1x8xf32>
    tpu.vector_store %arg5[%swap3A, %swap3A_32], %add3A {strides = array<i32>} : memref<2x8xf32, #tpu.memory_space<vmem>>, vector<1x8xf32>,
    return
  }
  func.func @transform_0(%arg0: i32) -> (i32, i32, i32) {
    %c0_i32 = arith.constant 0 : i32
    %c0_i32_0 = arith.constant 0 : i32
    %c0_i32_1 = arith.constant 0 : i32
    return %arg0, %c0_i32, %c0_i32_0 : i32, i32, i32
  }
  func.func @transform_1(%arg0: i32) -> (i32, i32) {
    %c0_i32 = arith.constant 0 : i32
    %c0_i32_0 = arith.constant 0 : i32
    %c0_i32_1 = arith.constant 0 : i32
    return %c0_i32, %c0_i32_0 : i32, i32
  }
  func.func @transform_2(%arg0: i32) -> (i32, i32) {
    %c0_i32 = arith.constant 0 : i32
    %c0_i32_0 = arith.constant 0 : i32
    %c0_i32_1 = arith.constant 0 : i32
    return %c0_i32, %c0_i32_0 : i32, i32
  }
  func.func @transform_3(%arg0: i32) -> (i32, i32) {
    %c0_i32 = arith.constant 0 : i32
    %c0_i32_0 = arith.constant 0 : i32
    %c0_i32_1 = arith.constant 0 : i32
    return %c0_i32, %c0_i32_0 : i32, i32
  }
  func.func @transform_4(%arg0: i32) -> (i32, i32) {
    %c0_i32 = arith.constant 0 : i32
    %c0_i32_0 = arith.constant 0 : i32
    %c0_i32_1 = arith.constant 0 : i32
    return %c0_i32, %c0_i32_0 : i32, i32
  }
}

module attributes {stable_mosaic.version = 14 : i64} {
  func.func @_ffn_kernel(%arg0: i32, %arg1: i32, %arg2: i32, %arg3: memref<16xi32, #tpu.memory_space<smem>>, %arg4: memref<16xf32, #tpu.memory_space<smem>>, %arg5: memref<1x2048x768xbf16, #tpu.memory_space<vmem>>, %arg6: memref<1x768x768xbf16, #tpu.memory_space<vmem>>, %arg7: memref<1x1x768xf32, #tpu.memory_space<vmem>>, %arg8: memref<1x768x768xbf16, #tpu.memory_space<vmem>>, %arg9: memref<1x1x768xf32, #tpu.memory_space<vmem>>, %arg10: memref<1x2048x768xf32, #tpu.memory_space<vmem>>) attributes {dimension_semantics = [#tpu.dimension_semantics<arbitrary>, #tpu.dimension_semantics<arbitrary>, #tpu.dimension_semantics<arbitrary>], iteration_bounds = array<i64: 2, 1, 2>, scalar_prefetch = 2 : i64, scratch_operands = 0 : i64, tpu.core_type = #tpu.core_type<tc>, window_params = [{transform_indices = @transform_0, window_bounds = array<i64: 1, 2048, 768>}, {transform_indices = @transform_1, window_bounds = array<i64: 1, 768, 768>}, {transform_indices = @transform_2, window_bounds = array<i64: 1, 1, 768>}, {transform_indices = @transform_3, window_bounds = array<i64: 1, 768, 768>}, {transform_indices = @transform_4, window_bounds = array<i64: 1, 1, 768>}, {transform_indices = @transform_5, window_bounds = array<i64: 1, 2048, 768>}]} {
    %get3A = arith.constant 0 : index
    %get3A_0 = arith.constant 0 : index
    %get3A_1 = arith.constant 0 : index
    %get3A_2 = vector.load %arg5[%get3A, %get3A_0, %get3A_1] : memref<1x2048x768xbf16, #tpu.memory_space<vmem>>, vector<1x2048x768xbf16>
    %get3A_3 = vector.shape_cast %get3A_2 : vector<1x2048x768xbf16> to vector<2048x768xbf16>
    %get3A_4 = arith.constant 0 : index
    %get3A_5 = arith.constant 0 : index
    %get3A_6 = arith.constant 0 : index
    %get3A_7 = vector.load %arg6[%get3A_4, %get3A_5, %get3A_6] : memref<1x768x768xbf16, #tpu.memory_space<vmem>>, vector<1x768x768xbf16>
    %get3A_8 = vector.shape_cast %get3A_7 : vector<1x768x768xbf16> to vector<768x768xbf16>
    %dot_general3A = arith.constant dense<0.000000e+00> : vector<2048x768xf32>
    %dot_general3A_9 = tpu.matmul %get3A_3, %get3A_8, %dot_general3A {dimension_numbers = #tpu.dot_dimension_numbers<[1], [0], [0], [1], [0, 0, 1, 1], [], []>, transpose_lhs_hint = false} : vector<2048x768xbf16>, vector<768x768xbf16>, vector<2048x768xf32> -> vector<2048x768xf32>
    %get3A_10 = arith.constant 0 : index
    %get3A_11 = arith.constant 0 : index
    %get3A_12 = arith.constant 0 : index
    %get3A_13 = vector.load %arg7[%get3A_10, %get3A_11, %get3A_12] : memref<1x1x768xf32, #tpu.memory_space<vmem>>, vector<1x1x768xf32>
    %get3A_14 = vector.shape_cast %get3A_13 : vector<1x1x768xf32> to vector<1x768xf32>
    %add3A = vector.broadcast %get3A_14 : vector<1x768xf32> to vector<2048x768xf32>
    %add3A_15 = arith.addf %dot_general3A_9, %add3A : vector<2048x768xf32>
    %mul3A = arith.constant 5.000000e-01 : f32
    %mul3A_16 = vector.broadcast %mul3A : f32 to vector<2048x768xf32>
    %mul3A_17 = arith.mulf %add3A_15, %mul3A_16 : vector<2048x768xf32>
    %mul3A_18 = arith.constant 0.707106769 : f32
    %mul3A_19 = vector.broadcast %mul3A_18 : f32 to vector<2048x768xf32>
    %mul3A_20 = arith.mulf %add3A_15, %mul3A_19 : vector<2048x768xf32>
    %erf3A = math.erf %mul3A_20 : vector<2048x768xf32>
    %add3A_21 = arith.constant 1.000000e+00 : f32
    %add3A_22 = vector.broadcast %add3A_21 : f32 to vector<2048x768xf32>
    %add3A_23 = arith.addf %add3A_22, %erf3A : vector<2048x768xf32>
    %mul3A_24 = arith.mulf %mul3A_17, %add3A_23 : vector<2048x768xf32>
    %convert_element_type3A = arith.truncf %mul3A_24 : vector<2048x768xf32> to vector<2048x768xbf16>
    %get3A_25 = arith.constant 0 : index
    %get3A_26 = arith.constant 0 : index
    %get3A_27 = arith.constant 0 : index
    %get3A_28 = vector.load %arg8[%get3A_25, %get3A_26, %get3A_27] : memref<1x768x768xbf16, #tpu.memory_space<vmem>>, vector<1x768x768xbf16>
    %get3A_29 = vector.shape_cast %get3A_28 : vector<1x768x768xbf16> to vector<768x768xbf16>
    %dot_general3A_30 = arith.constant dense<0.000000e+00> : vector<2048x768xf32>
    %dot_general3A_31 = tpu.matmul %convert_element_type3A, %get3A_29, %dot_general3A_30 {dimension_numbers = #tpu.dot_dimension_numbers<[1], [0], [0], [1], [0, 0, 1, 1], [], []>, transpose_lhs_hint = false} : vector<2048x768xbf16>, vector<768x768xbf16>, vector<2048x768xf32> -> vector<2048x768xf32>
    %get3A_32 = arith.constant 0 : index
    %get3A_33 = arith.constant 0 : index
    %get3A_34 = arith.constant 0 : index
    %get3A_35 = vector.load %arg9[%get3A_32, %get3A_33, %get3A_34] : memref<1x1x768xf32, #tpu.memory_space<vmem>>, vector<1x1x768xf32>
    %get3A_36 = vector.shape_cast %get3A_35 : vector<1x1x768xf32> to vector<1x768xf32>
    %add3A_37 = vector.broadcast %get3A_36 : vector<1x768xf32> to vector<2048x768xf32>
    %add3A_38 = arith.addf %dot_general3A_31, %add3A_37 : vector<2048x768xf32>
    %mul3A_39 = arith.constant 5.000000e-01 : f32
    %mul3A_40 = vector.broadcast %mul3A_39 : f32 to vector<2048x768xf32>
    %mul3A_41 = arith.mulf %add3A_38, %mul3A_40 : vector<2048x768xf32>
    %mul3A_42 = arith.constant 0.707106769 : f32
    %mul3A_43 = vector.broadcast %mul3A_42 : f32 to vector<2048x768xf32>
    %mul3A_44 = arith.mulf %add3A_38, %mul3A_43 : vector<2048x768xf32>
    %erf3A_45 = math.erf %mul3A_44 : vector<2048x768xf32>
    %add3A_46 = arith.constant 1.000000e+00 : f32
    %add3A_47 = vector.broadcast %add3A_46 : f32 to vector<2048x768xf32>
    %add3A_48 = arith.addf %add3A_47, %erf3A_45 : vector<2048x768xf32>
    %mul3A_49 = arith.mulf %mul3A_41, %add3A_48 : vector<2048x768xf32>
    %mul3A_50 = arith.constant 2 : i32
    %mul3A_51 = arith.muli %mul3A_50, %arg0 : i32
    %add3A_52 = arith.addi %mul3A_51, %arg2 : i32
    %get3A_53 = arith.index_cast %add3A_52 : i32 to index
    %get3A_54 = memref.load %arg4[%get3A_53] : memref<16xf32, #tpu.memory_space<smem>>
    %eq3A = arith.constant 0 : i32
    %eq3A_55 = arith.cmpi eq, %arg2, %eq3A : i32
    %convert_element_type3A_56 = arith.extui %eq3A_55 : i1 to i32
    %cond3A = arith.constant 0 : i32
    %cond3A_57 = arith.cmpi ne, %convert_element_type3A_56, %cond3A : i32
    scf.if %cond3A_57 {
      %mul3A_63 = vector.broadcast %get3A_54 : f32 to vector<2048x768xf32>
      %mul3A_64 = arith.mulf %mul3A_63, %mul3A_49 : vector<2048x768xf32>
      %swap3A = arith.constant 0 : index
      %swap3A_65 = arith.constant 0 : index
      %swap3A_66 = arith.constant 0 : index
      %swap3A_67 = vector.load %arg10[%swap3A, %swap3A_65, %swap3A_66] : memref<1x2048x768xf32, #tpu.memory_space<vmem>>, vector<1x2048x768xf32>
      %swap3A_68 = vector.shape_cast %swap3A_67 : vector<1x2048x768xf32> to vector<2048x768xf32>
      %swap3A_69 = vector.shape_cast %mul3A_64 : vector<2048x768xf32> to vector<1x2048x768xf32>
      tpu.vector_store %arg10[%swap3A, %swap3A_65, %swap3A_66], %swap3A_69 {strides = array<i32>} : memref<1x2048x768xf32, #tpu.memory_space<vmem>>, vector<1x2048x768xf32>,
    } else {
    }
    %eq3A_58 = arith.constant 1 : i32
    %eq3A_59 = arith.cmpi eq, %arg2, %eq3A_58 : i32
    %convert_element_type3A_60 = arith.extui %eq3A_59 : i1 to i32
    %cond3A_61 = arith.constant 0 : i32
    %cond3A_62 = arith.cmpi ne, %convert_element_type3A_60, %cond3A_61 : i32
    scf.if %cond3A_62 {
      %get3A_63 = arith.constant 0 : index
      %get3A_64 = arith.constant 0 : index
      %get3A_65 = arith.constant 0 : index
      %get3A_66 = vector.load %arg10[%get3A_63, %get3A_64, %get3A_65] : memref<1x2048x768xf32, #tpu.memory_space<vmem>>, vector<1x2048x768xf32>
      %get3A_67 = vector.shape_cast %get3A_66 : vector<1x2048x768xf32> to vector<2048x768xf32>
      %mul3A_68 = vector.broadcast %get3A_54 : f32 to vector<2048x768xf32>
      %mul3A_69 = arith.mulf %mul3A_68, %mul3A_49 : vector<2048x768xf32>
      %add3A_70 = arith.addf %get3A_67, %mul3A_69 : vector<2048x768xf32>
      %swap3A = arith.constant 0 : index
      %swap3A_71 = arith.constant 0 : index
      %swap3A_72 = arith.constant 0 : index
      %swap3A_73 = vector.load %arg10[%swap3A, %swap3A_71, %swap3A_72] : memref<1x2048x768xf32, #tpu.memory_space<vmem>>, vector<1x2048x768xf32>
      %swap3A_74 = vector.shape_cast %swap3A_73 : vector<1x2048x768xf32> to vector<2048x768xf32>
      %swap3A_75 = vector.shape_cast %add3A_70 : vector<2048x768xf32> to vector<1x2048x768xf32>
      tpu.vector_store %arg10[%swap3A, %swap3A_71, %swap3A_72], %swap3A_75 {strides = array<i32>} : memref<1x2048x768xf32, #tpu.memory_space<vmem>>, vector<1x2048x768xf32>,
    } else {
    }
    return
  }
  func.func @transform_0(%arg0: i32, %arg1: i32, %arg2: i32, %arg3: memref<16xi32, #tpu.memory_space<smem>>, %arg4: memref<16xf32, #tpu.memory_space<smem>>) -> (i32, i32, i32) {
    %c0_i32 = arith.constant 0 : i32
    %c0_i32_0 = arith.constant 0 : i32
    return %arg0, %arg1, %c0_i32 : i32, i32, i32
  }
  func.func @transform_1(%arg0: i32, %arg1: i32, %arg2: i32, %arg3: memref<16xi32, #tpu.memory_space<smem>>, %arg4: memref<16xf32, #tpu.memory_space<smem>>) -> (i32, i32, i32) {
    %mul3A = arith.constant 2 : i32
    %mul3A_0 = arith.muli %mul3A, %arg0 : i32
    %add3A = arith.addi %mul3A_0, %arg2 : i32
    %get3A = arith.index_cast %add3A : i32 to index
    %get3A_1 = memref.load %arg3[%get3A] : memref<16xi32, #tpu.memory_space<smem>>
    %c0_i32 = arith.constant 0 : i32
    %c0_i32_2 = arith.constant 0 : i32
    %c0_i32_3 = arith.constant 0 : i32
    return %get3A_1, %c0_i32, %c0_i32_2 : i32, i32, i32
  }
  func.func @transform_2(%arg0: i32, %arg1: i32, %arg2: i32, %arg3: memref<16xi32, #tpu.memory_space<smem>>, %arg4: memref<16xf32, #tpu.memory_space<smem>>) -> (i32, i32, i32) {
    %mul3A = arith.constant 2 : i32
    %mul3A_0 = arith.muli %mul3A, %arg0 : i32
    %add3A = arith.addi %mul3A_0, %arg2 : i32
    %get3A = arith.index_cast %add3A : i32 to index
    %get3A_1 = memref.load %arg3[%get3A] : memref<16xi32, #tpu.memory_space<smem>>
    %c0_i32 = arith.constant 0 : i32
    %c0_i32_2 = arith.constant 0 : i32
    %c0_i32_3 = arith.constant 0 : i32
    return %get3A_1, %c0_i32, %c0_i32_2 : i32, i32, i32
  }
  func.func @transform_3(%arg0: i32, %arg1: i32, %arg2: i32, %arg3: memref<16xi32, #tpu.memory_space<smem>>, %arg4: memref<16xf32, #tpu.memory_space<smem>>) -> (i32, i32, i32) {
    %mul3A = arith.constant 2 : i32
    %mul3A_0 = arith.muli %mul3A, %arg0 : i32
    %add3A = arith.addi %mul3A_0, %arg2 : i32
    %get3A = arith.index_cast %add3A : i32 to index
    %get3A_1 = memref.load %arg3[%get3A] : memref<16xi32, #tpu.memory_space<smem>>
    %c0_i32 = arith.constant 0 : i32
    %c0_i32_2 = arith.constant 0 : i32
    %c0_i32_3 = arith.constant 0 : i32
    return %get3A_1, %c0_i32, %c0_i32_2 : i32, i32, i32
  }
  func.func @transform_4(%arg0: i32, %arg1: i32, %arg2: i32, %arg3: memref<16xi32, #tpu.memory_space<smem>>, %arg4: memref<16xf32, #tpu.memory_space<smem>>) -> (i32, i32, i32) {
    %mul3A = arith.constant 2 : i32
    %mul3A_0 = arith.muli %mul3A, %arg0 : i32
    %add3A = arith.addi %mul3A_0, %arg2 : i32
    %get3A = arith.index_cast %add3A : i32 to index
    %get3A_1 = memref.load %arg3[%get3A] : memref<16xi32, #tpu.memory_space<smem>>
    %c0_i32 = arith.constant 0 : i32
    %c0_i32_2 = arith.constant 0 : i32
    %c0_i32_3 = arith.constant 0 : i32
    return %get3A_1, %c0_i32, %c0_i32_2 : i32, i32, i32
  }
  func.func @transform_5(%arg0: i32, %arg1: i32, %arg2: i32, %arg3: memref<16xi32, #tpu.memory_space<smem>>, %arg4: memref<16xf32, #tpu.memory_space<smem>>) -> (i32, i32, i32) {
    %c0_i32 = arith.constant 0 : i32
    %c0_i32_0 = arith.constant 0 : i32
    return %arg0, %arg1, %c0_i32 : i32, i32, i32
  }
}

</mosaic_0001>

<sc_bundles>
// kernel: kernel.5.cloned.1.call-start
scs
__scs_entry_jumppad:
0x0: {  	(pc) =	sbr.rel $0x88, $3  }
0x1: {  	(tag) =	ssettag $0x0;
	lr =	simm.s32 $0x1  }
0x2: {  	[smem:$0x3F99] =	sst lr;
	_ =	strace $0xD0000000  }
0x3: {  	_ = 	snop  }
0x4: {  	_ = 	snop  }
0x5: {  	_ = 	snop  }
0x6: {  	_ = 	snop  }
0x7: {  	_ = 	snop  }
__scs_overlays_trampoline_lowered:
0x8: {  	[smem:$0x3FA8] =	sst s0  }
0x9: {  	[smem:$0x3FA9] =	sst s1  }
0xa: {  	[smem:$0x3FAA] =	sst s2  }
0xb: {  	[smem:$0x3FAB] =	sst s3  }
0xc: {  	[smem:$0x3FAC] =	sst s4  }
0xd: {  	[smem:$0x3FAD] =	sst s5  }
0xe: {  	[smem:$0x3FAE] =	sst s6  }
0xf: {  	[smem:$0x3FAF] =	sst s7  }
0x10: {  	[smem:$0x3FB0] =	sst s8  }
0x11: {  	[smem:$0x3FB1] =	sst s9;
	s0 =	simm.s32 @!p0 $0x0  }
0x12: {  	s1 =	sld [smem:$0x3F97];
	s0 =	simm.s32 @p0 $0x1  }
0x13: {  	[smem:$0x3FB2] =	sst s0;
	s0 =	simm.s32 @!p1 $0x0  }
0x14: {  	s2 =	sld [smem:$0x3F96];
	s0 =	simm.s32 @p1 $0x1  }
0x15: {  	[smem:$0x3FB3] =	sst s0;
	s0 =	simm.s32 @!p2 $0x0  }
0x16: {  	s3 =	sld [smem:$0x3FDB];
	s0 =	simm.s32 @p2 $0x1  }
0x17: {  	s4 =	simm.s32 $0x1BF5;
	[smem:$0x3FB5] =	sst s0  }
0x18: {  	s0 =	sld [smem:$0x3F98];
	_ =	swait.ge [sflag:s4], $0x0  }
0x19: {  	s7 =	sld [smem:$0x3F99]  }
0x1a: {  	s8 =	sadd.s32 $0xFFFFE003, lr  }
0x1b: {  	s9 =	sadd.s32 $0xFFFFFEF7, lr;
	s5 =	simm.s32 $0xFFFFFFFF;
	p2 =	slt.u32 s8, $0xFFFFF086  }
0x1c: {  	p1 =	slt.u32 s9, $0xF7A;
	s5 =	simm.s32 @!p2 $0x0  }
0x1d: {  	s5 =	simm.s32 @p1 $0x1;
	p0 =	seq.s32 s7, s2  }
0x1e: {  	s7 =	smul.u32 @!p0 $0xF7A, s2;
	p2 =	seq.s32 @!p0 s5, $0x0  }
0x1f: {  	s9 =	smul.u32 $0xF7A, s1;
	s8 =	simm.s32 @!p0 $0x1BF5;
	p2 =	por !p2, p0  }
0x20: {  	[sflag:s8] =	ssyncset.s32 @!p0 $0xFFFFF086;
	s6 =	sadd.s32 @!p0 s3, s7;
	s7 =	simm.s32 @!p0 $0x108  }
0x21: {  	s3 =	sadd.s32 s3, s9;
	s6 =	sadd.s32 @!p0 $0x88, s6;
	s7 =	simm.s32 @p2 $0x1082  }
0x22: {  	[simem:s7], [sflag:s8] =	dma.local @!p0 [hbm:s6], $0xF7A  }
0x23: {  	s9 =	sor.u32 $0xD0000000, s2;
	s6 =	simm.s32 $0x108;
	_ =	swait.ge @!p0 [sflag:s8], $0x0  }
0x24: {  	s3 =	sadd.s32 $0x88, s3;
	s6 =	simm.s32 @!p1 $0x1082;
	[sflag:s4] =	ssyncset.s32 $0xFFFFF086  }
0x25: {  	[simem:s6], [sflag:s4] =	dma.local [hbm:s3], $0xF7A  }
0x26: {  	[smem:$0x3F99] =	sst s1;
	(tag) =	ssettag s2;
	_ =	strace s9  }
0x27: {  	s1 =	sld [smem:$0x3FA9]  }
0x28: {  	s2 =	sld [smem:$0x3FAA]  }
0x29: {  	s4 =	sld [smem:$0x3FAC]  }
0x2a: {  	p0 =	seq.s32 s5, $0x0;
	s5 =	sld [smem:$0x3FAD]  }
0x2b: {  	s6 =	sld [smem:$0x3FAE]  }
0x2c: {  	s7 =	sld [smem:$0x3FAF]  }
0x2d: {  	s3 =	simm.s32 $0x108;
	s8 =	sld [smem:$0x3FB0]  }
0x2e: {  	s3 =	simm.s32 @!p0 $0x1082;
	s9 =	sld [smem:$0x3FB1]  }
0x2f: {  	lr =	sadd.s32 s0, s3;
	s0 =	sld [smem:$0x3FA8]  }
0x30: {  	s3 =	sld [smem:$0x3FAB]  }
0x31: {  	[smem:$0x3FB4] =	sst s10  }
0x32: {  	s10 =	sld [smem:$0x3FB2];
	_ =	sdelay $0x3  }
0x33: {  	p0 =	seq.s32 s10, $0x1;
	s10 =	sld [smem:$0x3FB4];
	_ =	sdelay $0x3  }
0x34: {  	[smem:$0x3FB4] =	sst s10  }
0x35: {  	s10 =	sld [smem:$0x3FB3];
	_ =	sdelay $0x3  }
0x36: {  	p1 =	seq.s32 s10, $0x1;
	s10 =	sld [smem:$0x3FB4];
	_ =	sdelay $0x3  }
0x37: {  	[smem:$0x3FB4] =	sst s10  }
0x38: {  	s10 =	sld [smem:$0x3FB5]  }
0x39: {  	_ = 	snop;
	(pc) =	sbr.ind lr, $3  }
0x3a: {  	_ = 	snop  }
0x3b: {  	_ = 	snop  }
0x3c: {  	p2 =	seq.s32 s10, $0x1;
	s10 =	sld [smem:$0x3FB4]  }
0x3d: {  	_ =	shalt  }
0x3e: {  	_ =	shalt  }
0x3f: {  	_ =	shalt  }
0x40: {  	_ =	shalt  }
0x41: {  	_ =	shalt  }
0x42: {  	_ =	shalt  }
0x43: {  	_ =	shalt  }
0x44: {  	_ =	shalt  }
0x45: {  	_ =	shalt  }
0x46: {  	_ =	shalt  }
0x47: {  	_ =	shalt  }
0x48: {  	_ =	shalt  }
0x49: {  	_ =	shalt  }
0x4a: {  	_ =	shalt  }
0x4b: {  	_ =	shalt  }
0x4c: {  	_ =	shalt  }
0x4d: {  	_ =	shalt  }
0x4e: {  	_ =	shalt  }
0x4f: {  	_ =	shalt  }
0x50: {  	_ =	shalt  }
0x51: {  	_ =	shalt  }
0x52: {  	_ =	shalt  }
0x53: {  	_ =	shalt  }
0x54: {  	_ =	shalt  }
0x55: {  	_ =	shalt  }
0x56: {  	_ =	shalt  }
0x57: {  	_ =	shalt  }
0x58: {  	_ =	shalt  }
0x59: {  	_ =	shalt  }
0x5a: {  	_ =	shalt  }
0x5b: {  	_ =	shalt  }
0x5c: {  	_ =	shalt  }
0x5d: {  	_ =	shalt  }
0x5e: {  	_ =	shalt  }
0x5f: {  	_ =	shalt  }
0x60: {  	_ =	shalt  }
0x61: {  	_ =	shalt  }
0x62: {  	_ =	shalt  }
0x63: {  	_ =	shalt  }
0x64: {  	_ =	shalt  }
0x65: {  	_ =	shalt  }
0x66: {  	_ =	shalt  }
0x67: {  	_ =	shalt  }
0x68: {  	_ =	shalt  }
0x69: {  	_ =	shalt  }
0x6a: {  	_ =	shalt  }
0x6b: {  	_ =	shalt  }
0x6c: {  	_ =	shalt  }
0x6d: {  	_ =	shalt  }
0x6e: {  	_ =	shalt  }
0x6f: {  	_ =	shalt  }
0x70: {  	_ =	shalt  }
0x71: {  	_ =	shalt  }
0x72: {  	_ =	shalt  }
0x73: {  	_ =	shalt  }
0x74: {  	_ =	shalt  }
0x75: {  	_ =	shalt  }
0x76: {  	_ =	shalt  }
0x77: {  	_ =	shalt  }
0x78: {  	_ =	shalt  }
0x79: {  	_ =	shalt  }
0x7a: {  	_ =	shalt  }
0x7b: {  	_ =	shalt  }
0x7c: {  	_ =	shalt  }
0x7d: {  	_ =	shalt  }
0x7e: {  	_ =	shalt  }
0x7f: {  	_ =	shalt  }
0x80: {  	_ =	shalt  }
0x81: {  	_ =	shalt  }
0x82: {  	_ =	shalt  }
0x83: {  	_ =	shalt  }
0x84: {  	_ =	shalt  }
0x85: {  	_ =	shalt  }
0x86: {  	_ =	shalt  }
0x87: {  	_ =	shalt  }
.Lfunc_end0:
.L_simem_size_0:
called_computation_lowered:
.L_overlay_start_0:
0x88: {  	s2 =	sld [smem:$0x3FD9]  }
0x89: {  	s3 =	sld [smem:$0x3FFE];
	_ =	sdelay $0x1  }
0x8a: {  	s1 =	srdreg.scid  }
0x8b: {  	s0 =	sand.u32 $0x1, s1  }
0x8c: {  	s17 =	sshll.u32 s0, $0xA;
	s2 =	sadd.s32 s3, s2  }
0x8d: {  	s2 =	sadd.s32 s2, s17  }
0x8e: {  	[smem:$0x3FC0] =	sst s2  }
0x8f: {  	_ = 	snop  }
0x90: {  	s2 =	sld [smem:$0x3FD0];
	(tm) =	ssettm $0x1  }
0x91: {  	s18 =	sld [smem:$0x3FFB];
	_ =	sdelay $0x3  }
0x92: {  	_ =	strace s18  }
0x93: {  	s3 =	sld [smem:$0x3FFC];
	_ =	sdelay $0x3  }
0x94: {  	_ =	strace s3  }
0x95: {  	s3 =	sld [smem:$0x3FFD];
	_ =	sdelay $0x3  }
0x96: {  	_ =	strace s3  }
0x97: {  	_ =	strace $0x8FFFFFFF  }
0x98: {  	s19 =	sld [smem:$0x3FDB];
	_ =	sdelay $0x1  }
0x99: {  	s4 =	simm.s32 $_scs_section_size  }
0x9a: {  	s5 =	simm.s32 $_size__tile_overlayer_lowered;
	s6 =	simm.s32 $_tile_overlayer_lowered  }
0x9b: {  	s22 =	simm.s32 $0x1BFF;
	s21 =	sshll.u32 s6, $0x1;
	s3 =	sadd.s32 s4, s19  }
0x9c: {  	s7 =	simm.s32 $0x0;
	s20 =	sshll.u32 s5, $0x1;
	s5 =	sadd.s32 s21, s3  }
0x9d: {  	[timem:s7], [sflag:s22] =	dma.local [hbm:s5], s20  }
0x9e: {  	_ =	swait.ge [sflag:s22], s20  }
0x9f: {  	s4 =	ssub.s32 $0x0, s20;
	[sflag:s22] =	ssyncset.done $0x0  }
0xa0: {  	[sflag:s22] =	ssyncadd.s32 s4;
	_ =	sdelay $0x1  }
0xa1: {  	s23 =	simm.s32 $0x1B8B  }
0xa2: {  	_ =	swait.ge [sflag:s23], $0x1  }
0xa3: {  	[sflag:s23] =	ssyncset.done $0x0  }
0xa4: {  	s25 =	simm.s32 $0x1B8E;
	s24 =	sld [smem:$0x3FFE];
	[sflag:s23] =	ssyncadd.s32 $0xFFFFFFFF  }
0xa5: {  	s26 =	simm.s32 $execute0_lowered;
	[smem:$0x3FD2] =	sst s25  }
0xa6: {  	s5 =	sshll.u32 s26, $0x1;
	_ =	strace $0x80000046;
	[dreg:$0x1] =	wrdreg $0xFFFFFFFF  }
0xa7: {  	s28 =	simm.s32 $_size_execute0_lowered;
	s3 =	sadd.s32 s3, s5;
	[dreg:$0x0] =	wrdreg $0x0  }
0xa8: {  	s5 =	sshll.u32 s28, $0x1;
	[dreg:$0x2] =	wrdreg s3  }
0xa9: {  	[dreg:$0x3] =	wrdreg s5  }
0xaa: {  	[dreg:$0x4] =	wrdreg $0xC0  }
0xab: {  	_ =	task [dreg:s7], $0x5FFFF  }
0xac: {  	[dreg:$0x1] =	wrdreg $0xFFFFFFFF  }
0xad: {  	[dreg:$0x0] =	wrdreg $0x60  }
0xae: {  	[dreg:$0x2] =	wrdreg s2  }
0xaf: {  	[dreg:$0x3] =	wrdreg s24  }
0xb0: {  	[dreg:$0x4] =	wrdreg $0x9  }
0xb1: {  	_ =	task.clear_ibuf [dreg:s7], $0x5FFFF;
	_ =	strace $0x90000046  }
0xb2: {  	s29 =	simm.s32 $0x9;
	_ =	strace $0x80000048  }
0xb3: {  	_ =	swait.ge [sflag:s29], $0x1  }
0xb4: {  	[sflag:s29] =	ssyncadd.s32 $0xFFFFFFFF  }
0xb5: {  	_ =	strace $0x90000048  }
0xb6: {  	_ =	sfence  }
0xb7: {  	s30 =	sld [smem:$0x0];
	_ =	sdelay $0x2  }
0xb8: {  	s31 =	sshll.u32 s1, $0xD;
	s1 =	sshrl.u32 s1, $0x2  }
0xb9: {  	s3 =	sand.u32 $0x4000, s31;
	s1 =	sadd.s32 s1, s30  }
0xba: {  	s0 =	sor.u32 s3, s0;
	s1 =	sshll.u32 s1, $0x11  }
0xbb: {  	s0 =	sor.u32 s1, s0  }
0xbc: {  	s0 =	sadd.s32 $0x8F2B, s0  }
0xbd: {  	[sflag:s0] =	ssyncadd.remote.s32 $0x1  }
0xbe: {  	_ =	sfence.sel $0xFFFF  }
0xbf: {  	[dreg:$0x0] =	wrdreg $0xFFFFFFFF;
	(pc) =	sbr.abs _section_cstart, $3  }
0xc0: {  	[dreg:$0x1] =	wrdreg $0xFFFFFFFF  }
0xc1: {  	_ =	task.clear_ibuf [dreg:s7], $0x2FFFF;
	_ =	strace $0x9FFFFFFF  }
0xc2: {  	(tm) =	ssettm $0x7FFFFFFF  }
0xc3: {  	_ =	shalt  }
tec
execute0_lowered:
.L_overlay_start_1:
0x0: {  	(tag) =	ssettag $0x1  }
0x1: {  	s0 =	srdreg.scid  }
0x2: {  	s8 =	sand.u32 $0x1, s0;
	s0 =	stileid.u32  }
0x3: {  	s3 =	sor.u32 s0, s8  }
0x4: {  	p0 =	sne.s32 s3, $0x0  }
.Ltmp0:
0x5: {  	_ = 	snop;
	(pc) =	sbr.rel @p0 .LBB2_4-.Ltmp0, $4  }
0x6: {  	_ = 	snop  }
0x7: {  	s2 =	rddreg [dreg:$0x0]  }
0x8: {  	s7 =	rddreg [dreg:$0x1]  }
0x9: {  	s1 =	rddreg [dreg:$0x2];
	_ =	strace $0x80000047  }
0xa: {  	s4 =	simm.s32 $0x0;
	s3 =	simm.s32 $0x1  }
0xb: {  	[tilespmem:s4], [sflag:$0x1] =	stream.linear.gather [hbm4b:s2+s4], $0x80, $0x38;
	[tilespmem:$0x180] =	vst v63  }
0xc: {  	_ =	swait.ge [sflag:s3], $0x80  }
0xd: {  	[sflag:s3] =	ssyncset.done $0x0  }
0xe: {  	[sflag:s3] =	ssyncadd.s32 $0xFFFFFF80  }
0xf: {  	v0 =	vld [tilespmem:$0x0];
	_ =	sdelay $0x3  }
0x10: {  	vm0 =	vmmov $0xff  }
0x11: {  	v1 =	vnsel vm0, $0xFF7FC99E, v0  }
0x12: {  	(xrf0) =	vmax.scan.msk.f32 $0xffff, v1  }
0x13: {  	v1 =	vsel vm0, $0xFF7FC99E, v0  }
0x14: {  	(xrf0) =	vmax.scan.msk.f32 $0xffff, v1;
	_ =	sdelay $0x3  }
0x15: {  	v1, _, _ =	vpop (xrf0)  }
0x16: {  	v1 =	vbroadcast v1, $0xF  }
0x17: {  	v2, _, _ =	vpop (xrf0)  }
0x18: {  	v2 =	vbroadcast v2, $0xF;
	v1 =	vsub.f32 v0, v1;
	_ =	sdelay $0x1  }
0x19: {  	v0 =	vsub.f32 v0, v2;
	v1 =	vmul.f32 $1.442695020e+00, v1;
	_ =	sdelay $0x1  }
0x1a: {  	v0 =	vmul.f32 $1.442695020e+00, v0;
	(erf) = vpow2.f32 v1;
	_ =	sdelay $0x1  }
0x1b: {  	(erf) = vpow2.f32 v0;
	_ =	sdelay $0x6  }
0x1c: {  	v0 =	vpop (erf)  }
0x1d: {  	v1 =	vnsel vm0, $0x0, v0  }
0x1e: {  	v2 =	vpop (erf);
	(xrf2) =	vadd.scan.msk.f32 $0xffff, v1  }
0x1f: {  	v1 =	vsel vm0, $0x0, v2  }
0x20: {  	(xrf2) =	vadd.scan.msk.f32 $0xffff, v1;
	_ =	sdelay $0x7  }
0x21: {  	v1, _, _ =	vpop (xrf2)  }
0x22: {  	v1 =	vbroadcast v1, $0xF  }
0x23: {  	v3, _, _ =	vpop (xrf2)  }
0x24: {  	(erf) = vrcp.f32 v1;
	v1 =	vbroadcast v3, $0xF;
	_ =	sdelay $0x1  }
0x25: {  	(erf) = vrcp.f32 v1;
	_ =	sdelay $0x6  }
0x26: {  	v1 =	vpop (erf)  }
0x27: {  	v0 =	vmul.f32 v1, v0  }
0x28: {  	v1 =	vpop (erf)  }
0x29: {  	v3 =	vnsel vm0, $0xBF800000, v0;
	v0 =	vmul.f32 v1, v2  }
0x2a: {  	(xrf0) =	vmax.scan.msk.f32 $0xffff, v3  }
0x2b: {  	v1 =	vsel vm0, $0xBF800000, v0  }
0x2c: {  	(xrf0) =	vmax.scan.msk.f32 $0xffff, v1;
	_ =	sdelay $0x3  }
0x2d: {  	v0, _, _ =	vpop (xrf0)  }
0x2e: {  	v2 =	vbroadcast v0, $0xF  }
0x2f: {  	v0, _, _ =	vpop (xrf0)  }
0x30: {  	vm1 =	veq.f32 v3, v2;
	v4 =	vbroadcast v0, $0xF  }
0x31: {  	v5 =	vmctz.xlane vm1  }
0x32: {  	v0 =	vlaneseq.u32;
	vm1 =	veq.f32 v1, v4  }
0x33: {  	vm2 =	veq.s32 v5, v0;
	v6 =	vmctz.xlane vm1  }
0x34: {  	v3 =	vsel vm2, $0xBF800000, v3  }
0x35: {  	(xrf0) =	vmax.scan.msk.f32 $0xffff, v3;
	vm1 =	veq.s32 v6, v0  }
0x36: {  	v1 =	vsel vm1, $0xBF800000, v1  }
0x37: {  	(xrf0) =	vmax.scan.msk.f32 $0xffff, v1;
	_ =	sdelay $0x3  }
0x38: {  	v7, _, _ =	vpop (xrf0)  }
0x39: {  	v7 =	vbroadcast v7, $0xF  }
0x3a: {  	v8, _, _ =	vpop (xrf0)  }
0x3b: {  	v9 =	vadd.f32 v7, v2;
	v8 =	vbroadcast v8, $0xF;
	_ =	sdelay $0x1  }
0x3c: {  	v9 =	vadd.f32 $9.999999710e-10, v9;
	v10 =	vadd.f32 v8, v4;
	_ =	sdelay $0x1  }
0x3d: {  	(erf) = vrcp.f32 v9;
	v58 =	vadd.f32 $9.999999710e-10, v10;
	_ =	sdelay $0x1  }
0x3e: {  	(erf) = vrcp.f32 v58;
	_ =	sdelay $0x4  }
0x3f: {  	vm3 =	vcmask $0x710  }
0x40: {  	vm4 =	vcmask $0xB10;
	vm2 =	vcmask $0x310;
	vm5 =	veq.f32 v3, v7  }
0x41: {  	vm1 =	vmmov $0x1;
	v3 =	vmctz.xlane vm5;
	vm5 =	veq.f32 v1, v8;
	v1 =	vpop (erf)  }
0x42: {  	v60 =	vadd.s32 $0xFFFFFFF8, v6;
	v5 =	vnsel vm1, $0x0, v5;
	v2 =	vmul.f32 v1, v2  }
0x43: {  	v59 =	vmctz.xlane vm5;
	v3 =	vsel vm2, v5, v3;
	v1 =	vmul.f32 v1, v7;
	v61 =	vpop (erf)  }
0x44: {  	v3 =	vsel vm3, v3, v60;
	v2 =	vnsel vm1, $0x0, v2;
	v4 =	vmul.f32 v61, v4  }
0x45: {  	s8 =	ssub.s32 $0x2, s8;
	v62 =	vadd.s32 $0xFFFFFFF8, v59;
	v63 =	vmul.f32 v61, v8;
	v1 =	vsel vm2, v2, v1  }
0x46: {  	s9 =	sshrl.u32 s8, $0x1;
	v2 =	vsel vm4, v3, v62;
	v1 =	vsel vm3, v1, v4  }
0x47: {  	s9 =	ssub.s32 s8, s9;
	[tilespmem:$0x80] =	vst v2;
	v1 =	vsel vm4, v1, v63  }
0x48: {  	s5 =	sadd.s32 $0x1400, s7;
	s6 =	simm.s32 $0x80;
	p0 =	sne.s32 s9, $0x1;
	[tilespmem:$0x100] =	vst v1  }
0x49: {  	[hbm4b:s5+s4] =	stream.linear.scatter [tilespmem:s6], [sflag:$0x1], $0x80, $0x38;
	[tilespmem:$0x180] =	vst v63  }
.Ltmp1:
0x4a: {  	_ =	swait.ge [sflag:s3], $0x80;
	(pc) =	sbr.rel @!p0 .LBB2_3-.Ltmp1, $4  }
0x4b: {  	[sflag:s3] =	ssyncset.done $0x0  }
0x4c: {  	s7 =	sadd.s32 $0x1600, s7;
	s8 =	simm.s32 $0x100;
	[sflag:s3] =	ssyncadd.s32 $0xFFFFFF80  }
0x4d: {  	[hbm4b:s7+s4] =	stream.linear.scatter [tilespmem:s8], [sflag:$0x1], $0x80, $0x38;
	[tilespmem:$0x180] =	vst v63  }
0x4e: {  	s9 =	sadd.s32 $0xFFFFFFFF, s9;
	_ =	swait.ge [sflag:s3], $0x80  }
.LBB2_2:
0x4f: {  	p0 =	sne.s32 s9, $0x1;
	s9 =	sadd.s32 $0xFFFFFFFF, s9;
	[sflag:s3] =	ssyncset.done $0x0  }
0x50: {  	[sflag:s3] =	ssyncadd.s32 $0xFFFFFF80  }
0x51: {  	[tilespmem:s4], [sflag:$0x1] =	stream.linear.gather [hbm4b:s2+s4], $0x80, $0x38;
	[tilespmem:$0x180] =	vst v63  }
0x52: {  	_ =	swait.ge [sflag:s3], $0x80  }
0x53: {  	[sflag:s3] =	ssyncset.done $0x0  }
0x54: {  	[sflag:s3] =	ssyncadd.s32 $0xFFFFFF80  }
0x55: {  	v1 =	vld [tilespmem:$0x0];
	_ =	sdelay $0x4  }
0x56: {  	v2 =	vnsel vm0, $0xFF7FC99E, v1;
	v3 =	vsel vm0, $0xFF7FC99E, v1  }
0x57: {  	(xrf0) =	vmax.scan.msk.f32 $0xffff, v2  }
0x58: {  	(xrf0) =	vmax.scan.msk.f32 $0xffff, v3;
	_ =	sdelay $0x4  }
0x59: {  	v2, _, _ =	vpop (xrf0)  }
0x5a: {  	v2 =	vbroadcast v2, $0xF;
	v3, _, _ =	vpop (xrf0)  }
0x5b: {  	v3 =	vbroadcast v3, $0xF  }
0x5c: {  	v2 =	vsub.f32 v1, v2  }
0x5d: {  	v1 =	vsub.f32 v1, v3  }
0x5e: {  	v2 =	vmul.f32 $1.442695020e+00, v2  }
0x5f: {  	v1 =	vmul.f32 $1.442695020e+00, v1  }
0x60: {  	(erf) = vpow2.f32 v2  }
0x61: {  	(erf) = vpow2.f32 v1;
	_ =	sdelay $0x7  }
0x62: {  	v1 =	vpop (erf)  }
0x63: {  	v2 =	vnsel vm0, $0x0, v1;
	v3 =	vpop (erf)  }
0x64: {  	v4 =	vsel vm0, $0x0, v3;
	(xrf2) =	vadd.scan.msk.f32 $0xffff, v2;
	_ =	sdelay $0x2  }
0x65: {  	(xrf2) =	vadd.scan.msk.f32 $0xffff, v4;
	_ =	sdelay $0x6  }
0x66: {  	v2, _, _ =	vpop (xrf2)  }
0x67: {  	v4 =	vbroadcast v2, $0xF;
	_ =	sdelay $0x1  }
0x68: {  	(erf) = vrcp.f32 v4;
	v2, _, _ =	vpop (xrf2)  }
0x69: {  	v2 =	vbroadcast v2, $0xF;
	_ =	sdelay $0x1  }
0x6a: {  	(erf) = vrcp.f32 v2;
	_ =	sdelay $0x5  }
0x6b: {  	v2 =	vpop (erf)  }
0x6c: {  	v1 =	vmul.f32 v2, v1;
	_ =	sdelay $0x1  }
0x6d: {  	v1 =	vnsel vm0, $0xBF800000, v1;
	v2 =	vpop (erf)  }
0x6e: {  	v2 =	vmul.f32 v2, v3;
	(xrf0) =	vmax.scan.msk.f32 $0xffff, v1;
	_ =	sdelay $0x1  }
0x6f: {  	v2 =	vsel vm0, $0xBF800000, v2  }
0x70: {  	(xrf0) =	vmax.scan.msk.f32 $0xffff, v2;
	_ =	sdelay $0x2  }
0x71: {  	v3, _, _ =	vpop (xrf0)  }
0x72: {  	v3 =	vbroadcast v3, $0xF;
	_ =	sdelay $0x1  }
0x73: {  	vm5 =	veq.f32 v1, v3;
	v4, _, _ =	vpop (xrf0)  }
0x74: {  	v5 =	vmctz.xlane vm5;
	v4 =	vbroadcast v4, $0xF;
	_ =	sdelay $0x1  }
0x75: {  	vm5 =	veq.s32 v5, v0;
	vm6 =	veq.f32 v2, v4  }
0x76: {  	v1 =	vsel vm5, $0xBF800000, v1;
	v6 =	vmctz.xlane vm6  }
0x77: {  	(xrf0) =	vmax.scan.msk.f32 $0xffff, v1  }
0x78: {  	vm5 =	veq.s32 v6, v0  }
0x79: {  	v2 =	vsel vm5, $0xBF800000, v2  }
0x7a: {  	(xrf0) =	vmax.scan.msk.f32 $0xffff, v2;
	_ =	sdelay $0x2  }
0x7b: {  	v7, _, _ =	vpop (xrf0)  }
0x7c: {  	v7 =	vbroadcast v7, $0xF;
	_ =	sdelay $0x1  }
0x7d: {  	vm5 =	veq.f32 v1, v7;
	v1 =	vadd.f32 v7, v3;
	v8, _, _ =	vpop (xrf0)  }
0x7e: {  	v9 =	vmctz.xlane vm5;
	v8 =	vbroadcast v8, $0xF  }
0x7f: {  	v5 =	vnsel vm1, $0x0, v5;
	v1 =	vadd.f32 $9.999999710e-10, v1  }
0x80: {  	vm5 =	veq.f32 v2, v8;
	v2 =	vadd.f32 v8, v4;
	v5 =	vsel vm2, v5, v9  }
0x81: {  	v9 =	vmctz.xlane vm5;
	(erf) = vrcp.f32 v1  }
0x82: {  	v1 =	vadd.f32 $9.999999710e-10, v2;
	v2 =	vadd.s32 $0xFFFFFFF8, v6  }
0x83: {  	v6 =	vadd.s32 $0xFFFFFFF8, v9;
	v2 =	vsel vm3, v5, v2  }
0x84: {  	v2 =	vsel vm4, v2, v6;
	(erf) = vrcp.f32 v1  }
0x85: {  	[tilespmem:$0x80] =	vst v2;
	_ =	sdelay $0x4  }
0x86: {  	v1 =	vpop (erf)  }
0x87: {  	v2 =	vmul.f32 v1, v3;
	v1 =	vmul.f32 v1, v7;
	_ =	sdelay $0x1  }
0x88: {  	v2 =	vnsel vm1, $0x0, v2;
	v3 =	vpop (erf)  }
0x89: {  	v4 =	vmul.f32 v3, v4;
	v3 =	vmul.f32 v3, v8  }
0x8a: {  	v1 =	vsel vm2, v2, v1  }
0x8b: {  	v1 =	vsel vm3, v1, v4  }
0x8c: {  	v1 =	vsel vm4, v1, v3  }
0x8d: {  	[tilespmem:$0x100] =	vst v1  }
0x8e: {  	[hbm4b:s5+s4] =	stream.linear.scatter [tilespmem:s6], [sflag:$0x1], $0x80, $0x38;
	[tilespmem:$0x180] =	vst v63  }
.Ltmp2:
0x8f: {  	_ =	swait.ge [sflag:s3], $0x80;
	(pc) =	sbr.rel @p0 .LBB2_2-.Ltmp2, $4  }
0x90: {  	[sflag:s3] =	ssyncset.done $0x0  }
0x91: {  	[sflag:s3] =	ssyncadd.s32 $0xFFFFFF80  }
0x92: {  	[hbm4b:s7+s4] =	stream.linear.scatter [tilespmem:s8], [sflag:$0x1], $0x80, $0x38;
	[tilespmem:$0x180] =	vst v63  }
0x93: {  	_ =	swait.ge [sflag:s3], $0x80  }
.LBB2_3:
0x94: {  	[sflag:s3] =	ssyncset.done $0x0  }
0x95: {  	[sflag:s3] =	ssyncadd.s32 $0xFFFFFF80  }
.LBB2_4:
0x96: {  	_ =	sfence.sel $0x180000  }
0x97: {  	[bflag:$0x0] =	sbarrier.arrive $0xFFFF  }
0x98: {  	p0 =	sne.s32 s0, $0x0;
	_ =	strace $0x90000047  }
0x99: {  	s0 =	sadd.s32 @!p0 $0x100000, s1;
	[bflag:$0x2] =	sbarrier.arrive $0xFFFF  }
0x9a: {  	[sflag:s0] =	ssyncadd.tile.s32 @!p0 $0x1;
	_ =	shalt  }
.Lfunc_end2:
_tile_overlayer_lowered:
.L_overlay_start_2:
0x9b: {  	(tag) =	ssettag $0x2  }
0x9c: {  	s0 =	rddreg [dreg:$0x0];
	s2 =	stileid.u32  }
0x9d: {  	s1 =	rddreg [dreg:$0x1];
	p0 =	sne.s32 s2, $0x0  }
0x9e: {  	s3 =	rddreg [dreg:$0x2];
	[bflag:$0x3] =	sbarrier.arrive $0xFFFF;
	s2 =	simm.s32 @!p0 $0x1C01  }
0x9f: {  	[timem:s3], [sflag:s2] =	dma.local @!p0 [hbm:s0], s1  }
0xa0: {  	s0 =	simm.s32 @!p0 $0x1  }
0xa1: {  	_ =	swait.ge @!p0 [sflag:s0], s1  }
0xa2: {  	s1 =	ssub.s32 @!p0 $0x0, s1;
	[sflag:s0] =	ssyncset.done @!p0 $0x0  }
0xa3: {  	[sflag:s0] =	ssyncadd.s32 @!p0 s1  }
0xa4: {  	[bflag:$0x3] =	sbarrier.arrive $0xFFFF  }
0xa5: {  	_ =	shalt  }

</sc_bundles>
